<compile_context>
chip_gen: v7x
topology: tpu7x:2x2x1
jax: 0.10.2.dev20260603
libtpu: 0.0.44.dev20260713+nightly
codegen_flags: <defaults>
</compile_context>

<pallas_src>
import functools

import jax
import jax.numpy as jnp
from jax import lax
from jax.experimental import pallas as pl
import jax.experimental.pallas.tpu as pltpu
from jax.experimental.pallas import tpu_sc as plsc

_ROWS = 5000
_NG = 64
_CHUNK = 400
_NW = 25


def _layernorm(v, eps=1e-5):
    mu = jnp.mean(v, axis=-1, keepdims=True)
    var = jnp.mean((v - mu) ** 2, axis=-1, keepdims=True)
    return (v - mu) * jax.lax.rsqrt(var + eps)


def _gelu_exact(v):
    return 0.5 * v * (1.0 + jax.lax.erf(v * (2.0 ** -0.5)))


def _embed_kernel(x_ref, pe_ref, w_in_ref, b_in_ref, g_in_ref, bt_in_ref,
                  h_ref):
    h = jnp.dot(x_ref[...], w_in_ref[...], preferred_element_type=jnp.float32)
    h = _layernorm(h + b_in_ref[...]) * g_in_ref[...] + bt_in_ref[...]
    pe = pe_ref[...]
    h_ref[...] = h + jnp.concatenate([pe] * (_ROWS // 1000), axis=0)


def _sc_pool(h_hbm, batch_hbm, zeros_hbm, out_hbm, idx_v, rows_v, acc_sh):
    c = lax.axis_index("c")
    s = lax.axis_index("s")
    w = c * 16 + s

    @pl.when(s == 0)
    def _init():
        pltpu.sync_copy(zeros_hbm, acc_sh)

    plsc.subcore_barrier()

    @pl.when(w < _NW)
    def _accum():
        base = w * _CHUNK
        pltpu.sync_copy(batch_hbm.at[pl.ds(base, _CHUNK)], idx_v)
        pltpu.sync_copy(h_hbm.at[pl.ds(base, _CHUNK)], rows_v)
        pltpu.sync_copy(rows_v, acc_sh.at[idx_v], add=True)

    plsc.subcore_barrier()

    @pl.when(s == 0)
    def _flush():
        pltpu.sync_copy(acc_sh, out_hbm.at[c])


def _clf_kernel(parts_ref, c1w_ref, rw1_ref, rw2_ref, c1b_ref, c1g_ref,
                c1bt_ref, rg_ref, rbt_ref, rb1_ref, rb2_ref, c2w_ref,
                c2b_ref, out_ref):
    pooled = parts_ref[0] + parts_ref[1]
    c = jnp.dot(pooled, c1w_ref[...], preferred_element_type=jnp.float32)
    c = _layernorm(c + c1b_ref[...]) * c1g_ref[...] + c1bt_ref[...]
    c = _gelu_exact(c)
    t = _layernorm(c) * rg_ref[...] + rbt_ref[...]
    inner = _gelu_exact(
        jnp.dot(t, rw1_ref[...], preferred_element_type=jnp.float32)
        + rb1_ref[...])
    r = c + jnp.dot(inner, rw2_ref[...],
                    preferred_element_type=jnp.float32) + rb2_ref[...]
    o = jnp.sum(r * c2w_ref[...], axis=-1, keepdims=True) + c2b_ref[0, 0]
    out_ref[...] = jnp.broadcast_to(o, (_NG, 128))


@jax.jit
def kernel(x, edge_index, edge_attr, batch, params):
    p = params
    n, d = x.shape
    nsteps = n // _ROWS

    def row(v):
        return v.reshape(1, -1)

    vec_spec = pl.BlockSpec((1, d), lambda *_: (0, 0))

    h = pl.pallas_call(
        _embed_kernel,
        grid=(nsteps,),
        in_specs=[
            pl.BlockSpec((_ROWS, d), lambda i: (i, 0)),
            pl.BlockSpec((1000, d), lambda i: (0, 0)),
            pl.BlockSpec((d, d), lambda i: (0, 0)),
        ] + [vec_spec] * 3,
        out_specs=pl.BlockSpec((_ROWS, d), lambda i: (i, 0)),
        out_shape=jax.ShapeDtypeStruct((n, d), jnp.float32),
    )(x, p['pe'], p['W_in'], row(p['b_in']), row(p['g_in']),
      row(p['bt_in']))

    mesh = plsc.VectorSubcoreMesh(core_axis_name="c", subcore_axis_name="s")
    pool_fn = functools.partial(
        pl.kernel, mesh=mesh,
        out_type=jax.ShapeDtypeStruct((2, _NG, 128), jnp.float32),
        scratch_types=[
            pltpu.VMEM((_CHUNK,), jnp.int32),
            pltpu.VMEM((_CHUNK, 128), jnp.float32),
            pltpu.VMEM_SHARED((_NG, 128), jnp.float32),
        ],
    )(_sc_pool)
    parts = pool_fn(h, batch, jnp.zeros((_NG, 128), jnp.float32))

    full = pl.pallas_call(
        _clf_kernel,
        grid=(1,),
        in_specs=[
            pl.BlockSpec((2, _NG, 128), lambda i: (0, 0, 0)),
            pl.BlockSpec((d, 128), lambda i: (0, 0)),
            pl.BlockSpec((128, 128), lambda i: (0, 0)),
            pl.BlockSpec((128, 128), lambda i: (0, 0)),
        ] + [pl.BlockSpec((1, d), lambda i: (0, 0))] * 9,
        out_specs=pl.BlockSpec((_NG, 128), lambda i: (0, 0)),
        out_shape=jax.ShapeDtypeStruct((_NG, 128), jnp.float32),
    )(parts, p['c1W'], p['rW1'], p['rW2'], row(p['c1b']), row(p['c1g']),
      row(p['c1bt']), row(p['rg']), row(p['rbt']), row(p['rb1']),
      row(p['rb2']), row(p['c2W'][:, 0]),
      jnp.broadcast_to(p['c2b'], (1, d)))

    return full[:, :1]

# --- scband reference (transcript-rebuilt; emitter-appended) ---
"""Pipeline reference for scband-dyn-gattransformer-83141976916904 (READ-ONLY COPY).

The authoritative reference and input builder live on the scoring server;
editing this copy changes nothing except your own understanding.
"""

import jax, jax.numpy as jnp
import numpy as np

N = 10000
E = 320000
D = 128
H = 8
C = 128
ED = 16
MAXLEN = 1000
NG_MAX = 64


def _ln(x, g, b, eps=1e-5):
    mu = x.mean(-1, keepdims=True)
    var = ((x - mu) ** 2).mean(-1, keepdims=True)
    return (x - mu) / jnp.sqrt(var + eps) * g + b


def _seg_softmax(a, seg, n):
    m = jax.ops.segment_max(a, seg, num_segments=n)
    m = jnp.where(jnp.isfinite(m), m, 0.0)
    e = jnp.exp(a - m[seg])
    s = jax.ops.segment_sum(e, seg, num_segments=n)
    return e / (s[seg] + 1e-16)


def setup_inputs(seed: int = 0):
    key = jax.random.key(seed)
    ks = jax.random.split(key, 32)
    x = jax.random.normal(ks[0], (N, D), dtype=jnp.float32)
    edge_index = jax.random.randint(ks[1], (2, E), 0, N)
    edge_attr = jax.random.normal(ks[2], (E, ED), dtype=jnp.float32)
    batch = jnp.sort(jax.random.randint(ks[3], (N,), 0, NG_MAX))

    def w(k, shape):
        return jax.random.normal(k, shape, dtype=jnp.float32) * 0.05

    params = {
        'W_in': w(ks[4], (D, D)), 'b_in': jnp.zeros((D,), jnp.float32),
        'g_in': jnp.ones((D,), jnp.float32), 'bt_in': jnp.zeros((D,), jnp.float32),
        'pe': w(ks[5], (MAXLEN, D)),
        'gWl': w(ks[6], (D, H * C)), 'gbl': jnp.zeros((H * C,), jnp.float32),
        'gWr': w(ks[7], (D, H * C)), 'gbr': jnp.zeros((H * C,), jnp.float32),
        'gatt': w(ks[8], (H, C)), 'gWe': w(ks[9], (ED, H * C)),
        'gbias': jnp.zeros((C,), jnp.float32),
        'tWq': w(ks[10], (D, H * C)), 'tbq': jnp.zeros((H * C,), jnp.float32),
        'tWk': w(ks[11], (D, H * C)), 'tbk': jnp.zeros((H * C,), jnp.float32),
        'tWv': w(ks[12], (D, H * C)), 'tbv': jnp.zeros((H * C,), jnp.float32),
        'tWe': w(ks[13], (ED, H * C)), 'tbe': jnp.zeros((H * C,), jnp.float32),
        'tWs': w(ks[14], (D, C)), 'tbs': jnp.zeros((C,), jnp.float32),
        'tWb': w(ks[15], (3 * C, 1)),
        'ln_g': jnp.ones((D,), jnp.float32), 'ln_b': jnp.zeros((D,), jnp.float32),
        'pW': w(ks[16], (D, 1)), 'pb': jnp.zeros((1,), jnp.float32),
        'c1W': w(ks[17], (D, 128)), 'c1b': jnp.zeros((128,), jnp.float32),
        'c1g': jnp.ones((128,), jnp.float32), 'c1bt': jnp.zeros((128,), jnp.float32),
        'rW1': w(ks[18], (128, 128)), 'rb1': jnp.zeros((128,), jnp.float32),
        'rW2': w(ks[19], (128, 128)), 'rb2': jnp.zeros((128,), jnp.float32),
        'rg': jnp.ones((128,), jnp.float32), 'rbt': jnp.zeros((128,), jnp.float32),
        'c2W': w(ks[20], (128, 1)), 'c2b': jnp.zeros((1,), jnp.float32),
    }
    return {'x': x, 'edge_index': edge_index, 'edge_attr': edge_attr, 'batch': batch, 'params': params}


def _forward(x, edge_attr, params, edge_index, batch):
    p = params
    src = edge_index[0]
    dst = edge_index[1]
    n = x.shape[0]
    # input embedding: Linear + LayerNorm
    h = _ln(x @ p['W_in'] + p['b_in'], p['g_in'], p['bt_in'])
    # learned positional encoding (dropout = identity in eval)
    h = h + p['pe'][jnp.arange(n) % MAXLEN]
    # --- GATv2Conv(d,d,heads=H,edge_dim=ED,concat=False,add_self_loops=False) ---
    xl = (h @ p['gWl'] + p['gbl']).reshape(n, H, C)
    xr = (h @ p['gWr'] + p['gbr']).reshape(n, H, C)
    eg = (edge_attr @ p['gWe']).reshape(-1, H, C)
    z = xl[src] + xr[dst] + eg
    z = jnp.where(z > 0, z, 0.2 * z)  # leaky_relu(0.2)
    a = (z * p['gatt'][None]).sum(-1)
    a = _seg_softmax(a, dst, n)
    gat = jax.ops.segment_sum(xl[src] * a[..., None], dst, num_segments=n).mean(axis=1) + p['gbias']
    x_gat = _ln(gat, p['ln_g'], p['ln_b'])
    # --- TransformerConv(d,d,heads=H,edge_dim=ED,concat=False,beta=True) on x_gat ---
    q = (x_gat @ p['tWq'] + p['tbq']).reshape(n, H, C)
    k = (x_gat @ p['tWk'] + p['tbk']).reshape(n, H, C)
    v = (x_gat @ p['tWv'] + p['tbv']).reshape(n, H, C)
    ee = (edge_attr @ p['tWe'] + p['tbe']).reshape(-1, H, C)
    kj = k[src] + ee
    at = (q[dst] * kj).sum(-1) / jnp.sqrt(float(C))
    at = _seg_softmax(at, dst, n)
    tout = jax.ops.segment_sum((v[src] + ee) * at[..., None], dst, num_segments=n).mean(axis=1)
    xs = x_gat @ p['tWs'] + p['tbs']
    beta = jax.nn.sigmoid(jnp.concatenate([tout, xs, tout - xs], axis=-1) @ p['tWb'])
    tout = beta * xs + (1.0 - beta) * tout
    x_tr = _ln(tout, p['ln_g'], p['ln_b'])
    # use_cross_attention=False: original forward leaves x unchanged; keep dead
    # branches computed with a numerically-null tie (matches torch eager, which
    # evaluates x_gat / x_transformer even though they are unused).
    h = h + 0.0 * x_tr
    # --- Pooling (softmax over dim=1 of (N,1) scores == ones, kept faithful) ---
    score = jax.nn.softmax(h @ p['pW'] + p['pb'], axis=1)
    hw = score * h
    pooled = jax.ops.segment_sum(hw, batch, num_segments=NG_MAX)
    # --- classifier ---
    c = pooled @ p['c1W'] + p['c1b']
    c = _ln(c, p['c1g'], p['c1bt'])
    c = jax.nn.gelu(c, approximate=False)
    inner = jax.nn.gelu(_ln(c, p['rg'], p['rbt']) @ p['rW1'] + p['rb1'], approximate=False)
    r = c + inner @ p['rW2'] + p['rb2']  # ResidualBlockv2 (assumed pre-LN MLP residual)
    out = r @ p['c2W'] + p['c2b']
    return out


def reference(x, edge_index, edge_attr, batch, params):
    return _forward(x, edge_attr, params, edge_index, batch)

if __name__ == "__main__":
    import jax
    _d = setup_inputs()
    print(jax.jit(kernel)(*tuple(_d.values())))

</pallas_src>

<mosaic_0001>
#map = affine_map<(d0, d1) -> (0, 0)>
#map1 = affine_map<(d0, d1) -> (0)>
#map2 = affine_map<(d0, d1) -> (0, 0, 0)>
module attributes {stable_mosaic.version = 14 : i64} {
  func.func @_sc_pool(%arg0: i32, %arg1: i32, %arg2: memref<10000x128xf32, #tpu.memory_space<hbm>>, %arg3: memref<10000xi32, #tpu.memory_space<hbm>>, %arg4: memref<64x128xf32, #tpu.memory_space<hbm>>, %arg5: memref<2x64x128xf32, #tpu.memory_space<hbm>>, %arg6: memref<400xi32, #tpu.memory_space<vmem>>, %arg7: memref<400x128xf32, #tpu.memory_space<vmem>>, %arg8: memref<64x128xf32, #tpu.memory_space<vmem_shared>>) attributes {dimension_semantics = [#tpu.dimension_semantics<core_parallel>, #tpu.dimension_semantics<subcore_parallel>], iteration_bounds = array<i64: 2, 16>, scalar_prefetch = 0 : i64, scratch_operands = 3 : i64, tpu.core_type = #tpu.core_type<sc_vector_subcore>, window_params = [{transform_indices = #map}, {transform_indices = #map1}, {transform_indices = #map}, {transform_indices = #map2}]} {
    %mul3A = arith.constant 16 : i32
    %mul3A_0 = arith.muli %arg0, %mul3A : i32
    %add3A = arith.addi %mul3A_0, %arg1 : i32
    %eq3A = arith.constant 0 : i32
    %eq3A_1 = arith.cmpi eq, %arg1, %eq3A : i32
    %convert_element_type3A = arith.extui %eq3A_1 : i1 to i32
    %cond3A = arith.constant 0 : i32
    %cond3A_2 = arith.cmpi ne, %convert_element_type3A, %cond3A : i32
    scf.if %cond3A_2 {
      "tpu.region"() ({
        %run_scoped3A = tpu.sem_alloc : memref<!tpu.dma_semaphore, #tpu.memory_space<semaphore_mem>>
        tpu.enqueue_dma source(%arg4 : memref<64x128xf32, #tpu.memory_space<hbm>>) target(%arg8 : memref<64x128xf32, #tpu.memory_space<vmem_shared>>) target_semaphore(%run_scoped3A : memref<!tpu.dma_semaphore, #tpu.memory_space<semaphore_mem>>)
        tpu.wait_dma2 semaphore(%run_scoped3A : memref<!tpu.dma_semaphore, #tpu.memory_space<semaphore_mem>>) src(%arg4 : memref<64x128xf32, #tpu.memory_space<hbm>>) dst(%arg8 : memref<64x128xf32, #tpu.memory_space<vmem_shared>>)
        tpu.yield
      }) : () -> ()
    } else {
    }
    %barrier3A = arith.constant 0 : index
    tpu.barrier barrier_id(%barrier3A)
    %lt3A = arith.constant 25 : i32
    %lt3A_3 = arith.cmpi slt, %add3A, %lt3A : i32
    %convert_element_type3A_4 = arith.extui %lt3A_3 : i1 to i32
    %cond3A_5 = arith.constant 0 : i32
    %cond3A_6 = arith.cmpi ne, %convert_element_type3A_4, %cond3A_5 : i32
    scf.if %cond3A_6 {
      %mul3A_13 = arith.constant 400 : i32
      %mul3A_14 = arith.muli %add3A, %mul3A_13 : i32
      "tpu.region"() ({
        %run_scoped3A = tpu.sem_alloc : memref<!tpu.dma_semaphore, #tpu.memory_space<semaphore_mem>>
        %dma_start3A = tpu.memref_slice %arg3[%mul3A_14] : memref<10000xi32, #tpu.memory_space<hbm>> -> memref<400xi32, #tpu.memory_space<hbm>>
        %dma_start3A_15 = tpu.memref_slice %arg3[%mul3A_14] : memref<10000xi32, #tpu.memory_space<hbm>> -> memref<400xi32, #tpu.memory_space<hbm>>
        tpu.enqueue_dma source(%dma_start3A_15 : memref<400xi32, #tpu.memory_space<hbm>>) target(%arg6 : memref<400xi32, #tpu.memory_space<vmem>>) target_semaphore(%run_scoped3A : memref<!tpu.dma_semaphore, #tpu.memory_space<semaphore_mem>>)
        %dma_wait3A = tpu.memref_slice %arg3[%mul3A_14] : memref<10000xi32, #tpu.memory_space<hbm>> -> memref<400xi32, #tpu.memory_space<hbm>>
        %dma_wait3A_16 = tpu.memref_slice %arg3[%mul3A_14] : memref<10000xi32, #tpu.memory_space<hbm>> -> memref<400xi32, #tpu.memory_space<hbm>>
        tpu.wait_dma2 semaphore(%run_scoped3A : memref<!tpu.dma_semaphore, #tpu.memory_space<semaphore_mem>>) src(%dma_wait3A_16 : memref<400xi32, #tpu.memory_space<hbm>>) dst(%arg6 : memref<400xi32, #tpu.memory_space<vmem>>)
        tpu.yield
      }) : () -> ()
      "tpu.region"() ({
        %run_scoped3A = tpu.sem_alloc : memref<!tpu.dma_semaphore, #tpu.memory_space<semaphore_mem>>
        %dma_start3A = arith.constant 0 : i32
        %dma_start3A_15 = tpu.memref_slice %arg2[%mul3A_14, %dma_start3A] : memref<10000x128xf32, #tpu.memory_space<hbm>> -> memref<400x128xf32, #tpu.memory_space<hbm>>
        %dma_start3A_16 = arith.constant 0 : i32
        %dma_start3A_17 = tpu.memref_slice %arg2[%mul3A_14, %dma_start3A_16] : memref<10000x128xf32, #tpu.memory_space<hbm>> -> memref<400x128xf32, #tpu.memory_space<hbm>>
        tpu.enqueue_dma source(%dma_start3A_17 : memref<400x128xf32, #tpu.memory_space<hbm>>) target(%arg7 : memref<400x128xf32, #tpu.memory_space<vmem>>) target_semaphore(%run_scoped3A : memref<!tpu.dma_semaphore, #tpu.memory_space<semaphore_mem>>)
        %dma_wait3A = arith.constant 0 : i32
        %dma_wait3A_18 = tpu.memref_slice %arg2[%mul3A_14, %dma_wait3A] : memref<10000x128xf32, #tpu.memory_space<hbm>> -> memref<400x128xf32, #tpu.memory_space<hbm>>
        %dma_wait3A_19 = arith.constant 0 : i32
        %dma_wait3A_20 = tpu.memref_slice %arg2[%mul3A_14, %dma_wait3A_19] : memref<10000x128xf32, #tpu.memory_space<hbm>> -> memref<400x128xf32, #tpu.memory_space<hbm>>
        tpu.wait_dma2 semaphore(%run_scoped3A : memref<!tpu.dma_semaphore, #tpu.memory_space<semaphore_mem>>) src(%dma_wait3A_20 : memref<400x128xf32, #tpu.memory_space<hbm>>) dst(%arg7 : memref<400x128xf32, #tpu.memory_space<vmem>>)
        tpu.yield
      }) : () -> ()
      "tpu.region"() ({
        %run_scoped3A = tpu.sem_alloc : memref<!tpu.dma_semaphore, #tpu.memory_space<semaphore_mem>>
        %dma_start3A = arith.constant 0 : i32
        %dma_start3A_15 = arith.constant 0 : i32
        %dma_start3A_16 = tpu.memref_slice %arg8[%dma_start3A, %dma_start3A_15] : memref<64x128xf32, #tpu.memory_space<vmem_shared>> -> memref<64x128xf32, #tpu.memory_space<vmem_shared>>
        tpu.enqueue_indirect_dma source(%arg7 : memref<400x128xf32, #tpu.memory_space<vmem>>) target(%dma_start3A_16 : memref<64x128xf32, #tpu.memory_space<vmem_shared>>) offsets(%arg6 : memref<400xi32, #tpu.memory_space<vmem>>) semaphore(%run_scoped3A : memref<!tpu.dma_semaphore, #tpu.memory_space<semaphore_mem>>) {add = true}
        %dma_wait3A = arith.constant 0 : i32
        %dma_wait3A_17 = arith.constant 0 : i32
        %dma_wait3A_18 = tpu.memref_slice %arg8[%dma_wait3A, %dma_wait3A_17] : memref<64x128xf32, #tpu.memory_space<vmem_shared>> -> memref<64x128xf32, #tpu.memory_space<vmem_shared>>
        tpu.wait_indirect_dma semaphore(%run_scoped3A : memref<!tpu.dma_semaphore, #tpu.memory_space<semaphore_mem>>) src(%arg7 : memref<400x128xf32, #tpu.memory_space<vmem>>) dst(%dma_wait3A_18 : memref<64x128xf32, #tpu.memory_space<vmem_shared>>)
        tpu.yield
      }) : () -> ()
    } else {
    }
    %barrier3A_7 = arith.constant 0 : index
    tpu.barrier barrier_id(%barrier3A_7)
    %eq3A_8 = arith.constant 0 : i32
    %eq3A_9 = arith.cmpi eq, %arg1, %eq3A_8 : i32
    %convert_element_type3A_10 = arith.extui %eq3A_9 : i1 to i32
    %cond3A_11 = arith.constant 0 : i32
    %cond3A_12 = arith.cmpi ne, %convert_element_type3A_10, %cond3A_11 : i32
    scf.if %cond3A_12 {
      "tpu.region"() ({
        %run_scoped3A = tpu.sem_alloc : memref<!tpu.dma_semaphore, #tpu.memory_space<semaphore_mem>>
        %dma_start3A = arith.constant 0 : i32
        %dma_start3A_13 = arith.constant 0 : i32
        %dma_start3A_14 = tpu.memref_slice %arg5[%arg0, %dma_start3A, %dma_start3A_13] : memref<2x64x128xf32, #tpu.memory_space<hbm>> -> memref<1x64x128xf32, #tpu.memory_space<hbm>>
        %dma_start3A_15 = tpu.memref_squeeze %dma_start3A_14 : memref<1x64x128xf32, #tpu.memory_space<hbm>> -> memref<64x128xf32, #tpu.memory_space<hbm>>
        tpu.enqueue_dma source(%arg8 : memref<64x128xf32, #tpu.memory_space<vmem_shared>>) target(%dma_start3A_15 : memref<64x128xf32, #tpu.memory_space<hbm>>) target_semaphore(%run_scoped3A : memref<!tpu.dma_semaphore, #tpu.memory_space<semaphore_mem>>)
        %dma_wait3A = arith.constant 0 : i32
        %dma_wait3A_16 = arith.constant 0 : i32
        %dma_wait3A_17 = tpu.memref_slice %arg5[%arg0, %dma_wait3A, %dma_wait3A_16] : memref<2x64x128xf32, #tpu.memory_space<hbm>> -> memref<1x64x128xf32, #tpu.memory_space<hbm>>
        %dma_wait3A_18 = tpu.memref_squeeze %dma_wait3A_17 : memref<1x64x128xf32, #tpu.memory_space<hbm>> -> memref<64x128xf32, #tpu.memory_space<hbm>>
        tpu.wait_dma2 semaphore(%run_scoped3A : memref<!tpu.dma_semaphore, #tpu.memory_space<semaphore_mem>>) src(%arg8 : memref<64x128xf32, #tpu.memory_space<vmem_shared>>) dst(%dma_wait3A_18 : memref<64x128xf32, #tpu.memory_space<hbm>>)
        tpu.yield
      }) : () -> ()
    } else {
    }
    return
  }
}

module attributes {stable_mosaic.version = 14 : i64} {
  func.func @_embed_kernel(%arg0: i32, %arg1: memref<5000x128xf32, #tpu.memory_space<vmem>>, %arg2: memref<1000x128xf32, #tpu.memory_space<vmem>>, %arg3: memref<128x128xf32, #tpu.memory_space<vmem>>, %arg4: memref<1x128xf32, #tpu.memory_space<vmem>>, %arg5: memref<1x128xf32, #tpu.memory_space<vmem>>, %arg6: memref<1x128xf32, #tpu.memory_space<vmem>>, %arg7: memref<5000x128xf32, #tpu.memory_space<vmem>>) attributes {dimension_semantics = [#tpu.dimension_semantics<arbitrary>], iteration_bounds = array<i64: 2>, scalar_prefetch = 0 : i64, scratch_operands = 0 : i64, tpu.core_type = #tpu.core_type<tc>, window_params = [{transform_indices = @transform_0, window_bounds = array<i64: 5000, 128>}, {pipeline_mode = #tpu.pipeline_mode<synchronous>, transform_indices = @transform_1, window_bounds = array<i64: 1000, 128>}, {pipeline_mode = #tpu.pipeline_mode<synchronous>, transform_indices = @transform_2, window_bounds = array<i64: 128, 128>}, {pipeline_mode = #tpu.pipeline_mode<synchronous>, transform_indices = @transform_3, window_bounds = array<i64: 1, 128>}, {pipeline_mode = #tpu.pipeline_mode<synchronous>, transform_indices = @transform_4, window_bounds = array<i64: 1, 128>}, {pipeline_mode = #tpu.pipeline_mode<synchronous>, transform_indices = @transform_5, window_bounds = array<i64: 1, 128>}, {transform_indices = @transform_6, window_bounds = array<i64: 5000, 128>}]} {
    %get3A = arith.constant 0 : index
    %get3A_0 = arith.constant 0 : index
    %get3A_1 = vector.load %arg1[%get3A, %get3A_0] : memref<5000x128xf32, #tpu.memory_space<vmem>>, vector<5000x128xf32>
    %get3A_2 = arith.constant 0 : index
    %get3A_3 = arith.constant 0 : index
    %get3A_4 = vector.load %arg3[%get3A_2, %get3A_3] : memref<128x128xf32, #tpu.memory_space<vmem>>, vector<128x128xf32>
    %dot_general3A = arith.constant dense<0.000000e+00> : vector<5000x128xf32>
    %dot_general3A_5 = tpu.matmul %get3A_1, %get3A_4, %dot_general3A {dimension_numbers = #tpu.dot_dimension_numbers<[1], [0], [0], [1], [0, 0, 1, 1], [], []>, transpose_lhs_hint = false} : vector<5000x128xf32>, vector<128x128xf32>, vector<5000x128xf32> -> vector<5000x128xf32>
    %get3A_6 = arith.constant 0 : index
    %get3A_7 = arith.constant 0 : index
    %get3A_8 = vector.load %arg4[%get3A_6, %get3A_7] : memref<1x128xf32, #tpu.memory_space<vmem>>, vector<1x128xf32>
    %add3A = vector.broadcast %get3A_8 : vector<1x128xf32> to vector<5000x128xf32>
    %add3A_9 = arith.addf %dot_general3A_5, %add3A : vector<5000x128xf32>
    %reduce_sum3A = arith.constant dense<0.000000e+00> : vector<5000xf32>
    %reduce_sum3A_10 = vector.multi_reduction <add>, %add3A_9, %reduce_sum3A [1] : vector<5000x128xf32> to vector<5000xf32>
    %broadcast_in_dim3A = vector.shape_cast %reduce_sum3A_10 : vector<5000xf32> to vector<5000x1xf32>
    %div3A = arith.constant 1.280000e+02 : f32
    %div3A_11 = vector.broadcast %div3A : f32 to vector<5000x1xf32>
    %div3A_12 = arith.divf %broadcast_in_dim3A, %div3A_11 : vector<5000x1xf32>
    %sub3A = vector.broadcast %div3A_12 : vector<5000x1xf32> to vector<5000x128xf32>
    %sub3A_13 = arith.subf %add3A_9, %sub3A : vector<5000x128xf32>
    %integer_pow3A = arith.mulf %sub3A_13, %sub3A_13 : vector<5000x128xf32>
    %reduce_sum3A_14 = arith.constant dense<0.000000e+00> : vector<5000xf32>
    %reduce_sum3A_15 = vector.multi_reduction <add>, %integer_pow3A, %reduce_sum3A_14 [1] : vector<5000x128xf32> to vector<5000xf32>
    %broadcast_in_dim3A_16 = vector.shape_cast %reduce_sum3A_15 : vector<5000xf32> to vector<5000x1xf32>
    %div3A_17 = arith.constant 1.280000e+02 : f32
    %div3A_18 = vector.broadcast %div3A_17 : f32 to vector<5000x1xf32>
    %div3A_19 = arith.divf %broadcast_in_dim3A_16, %div3A_18 : vector<5000x1xf32>
    %sub3A_20 = vector.broadcast %div3A_12 : vector<5000x1xf32> to vector<5000x128xf32>
    %sub3A_21 = arith.subf %add3A_9, %sub3A_20 : vector<5000x128xf32>
    %add3A_22 = arith.constant 9.99999974E-6 : f32
    %add3A_23 = vector.broadcast %add3A_22 : f32 to vector<5000x1xf32>
    %add3A_24 = arith.addf %div3A_19, %add3A_23 : vector<5000x1xf32>
    %rsqrt3A = math.rsqrt %add3A_24 : vector<5000x1xf32>
    %mul3A = vector.broadcast %rsqrt3A : vector<5000x1xf32> to vector<5000x128xf32>
    %mul3A_25 = arith.mulf %sub3A_21, %mul3A : vector<5000x128xf32>
    %get3A_26 = arith.constant 0 : index
    %get3A_27 = arith.constant 0 : index
    %get3A_28 = vector.load %arg5[%get3A_26, %get3A_27] : memref<1x128xf32, #tpu.memory_space<vmem>>, vector<1x128xf32>
    %mul3A_29 = vector.broadcast %get3A_28 : vector<1x128xf32> to vector<5000x128xf32>
    %mul3A_30 = arith.mulf %mul3A_25, %mul3A_29 : vector<5000x128xf32>
    %get3A_31 = arith.constant 0 : index
    %get3A_32 = arith.constant 0 : index
    %get3A_33 = vector.load %arg6[%get3A_31, %get3A_32] : memref<1x128xf32, #tpu.memory_space<vmem>>, vector<1x128xf32>
    %add3A_34 = vector.broadcast %get3A_33 : vector<1x128xf32> to vector<5000x128xf32>
    %add3A_35 = arith.addf %mul3A_30, %add3A_34 : vector<5000x128xf32>
    %get3A_36 = arith.constant 0 : index
    %get3A_37 = arith.constant 0 : index
    %get3A_38 = vector.load %arg2[%get3A_36, %get3A_37] : memref<1000x128xf32, #tpu.memory_space<vmem>>, vector<1000x128xf32>
    %concatenate3A = tpu.concatenate %get3A_38, %get3A_38, %get3A_38, %get3A_38, %get3A_38 in 0 : vector<1000x128xf32>, vector<1000x128xf32>, vector<1000x128xf32>, vector<1000x128xf32>, vector<1000x128xf32> -> vector<5000x128xf32>
    %add3A_39 = arith.addf %add3A_35, %concatenate3A : vector<5000x128xf32>
    %swap3A = arith.constant 0 : index
    %swap3A_40 = arith.constant 0 : index
    %swap3A_41 = vector.load %arg7[%swap3A, %swap3A_40] : memref<5000x128xf32, #tpu.memory_space<vmem>>, vector<5000x128xf32>
    tpu.vector_store %arg7[%swap3A, %swap3A_40], %add3A_39 {strides = array<i32>} : memref<5000x128xf32, #tpu.memory_space<vmem>>, vector<5000x128xf32>,
    return
  }
  func.func @transform_0(%arg0: i32) -> (i32, i32) {
    %c0_i32 = arith.constant 0 : i32
    %c0_i32_0 = arith.constant 0 : i32
    return %arg0, %c0_i32 : i32, i32
  }
  func.func @transform_1(%arg0: i32) -> (i32, i32) {
    %c0_i32 = arith.constant 0 : i32
    %c0_i32_0 = arith.constant 0 : i32
    %c0_i32_1 = arith.constant 0 : i32
    return %c0_i32, %c0_i32_0 : i32, i32
  }
  func.func @transform_2(%arg0: i32) -> (i32, i32) {
    %c0_i32 = arith.constant 0 : i32
    %c0_i32_0 = arith.constant 0 : i32
    %c0_i32_1 = arith.constant 0 : i32
    return %c0_i32, %c0_i32_0 : i32, i32
  }
  func.func @transform_3(%arg0: i32) -> (i32, i32) {
    %c0_i32 = arith.constant 0 : i32
    %c0_i32_0 = arith.constant 0 : i32
    %c0_i32_1 = arith.constant 0 : i32
    return %c0_i32, %c0_i32_0 : i32, i32
  }
  func.func @transform_4(%arg0: i32) -> (i32, i32) {
    %c0_i32 = arith.constant 0 : i32
    %c0_i32_0 = arith.constant 0 : i32
    %c0_i32_1 = arith.constant 0 : i32
    return %c0_i32, %c0_i32_0 : i32, i32
  }
  func.func @transform_5(%arg0: i32) -> (i32, i32) {
    %c0_i32 = arith.constant 0 : i32
    %c0_i32_0 = arith.constant 0 : i32
    %c0_i32_1 = arith.constant 0 : i32
    return %c0_i32, %c0_i32_0 : i32, i32
  }
  func.func @transform_6(%arg0: i32) -> (i32, i32) {
    %c0_i32 = arith.constant 0 : i32
    %c0_i32_0 = arith.constant 0 : i32
    return %arg0, %c0_i32 : i32, i32
  }
}

module attributes {stable_mosaic.version = 14 : i64} {
  func.func @_clf_kernel(%arg0: i32, %arg1: memref<2x64x128xf32, #tpu.memory_space<vmem>>, %arg2: memref<128x128xf32, #tpu.memory_space<vmem>>, %arg3: memref<128x128xf32, #tpu.memory_space<vmem>>, %arg4: memref<128x128xf32, #tpu.memory_space<vmem>>, %arg5: memref<1x128xf32, #tpu.memory_space<vmem>>, %arg6: memref<1x128xf32, #tpu.memory_space<vmem>>, %arg7: memref<1x128xf32, #tpu.memory_space<vmem>>, %arg8: memref<1x128xf32, #tpu.memory_space<vmem>>, %arg9: memref<1x128xf32, #tpu.memory_space<vmem>>, %arg10: memref<1x128xf32, #tpu.memory_space<vmem>>, %arg11: memref<1x128xf32, #tpu.memory_space<vmem>>, %arg12: memref<1x128xf32, #tpu.memory_space<vmem>>, %arg13: memref<1x128xf32, #tpu.memory_space<vmem>>, %arg14: memref<64x128xf32, #tpu.memory_space<vmem>>) attributes {dimension_semantics = [#tpu.dimension_semantics<arbitrary>], iteration_bounds = array<i64: 1>, scalar_prefetch = 0 : i64, scratch_operands = 0 : i64, tpu.core_type = #tpu.core_type<tc>, window_params = [{pipeline_mode = #tpu.pipeline_mode<synchronous>, transform_indices = @transform_0, window_bounds = array<i64: 2, 64, 128>}, {pipeline_mode = #tpu.pipeline_mode<synchronous>, transform_indices = @transform_1, window_bounds = array<i64: 128, 128>}, {pipeline_mode = #tpu.pipeline_mode<synchronous>, transform_indices = @transform_2, window_bounds = array<i64: 128, 128>}, {pipeline_mode = #tpu.pipeline_mode<synchronous>, transform_indices = @transform_3, window_bounds = array<i64: 128, 128>}, {pipeline_mode = #tpu.pipeline_mode<synchronous>, transform_indices = @transform_4, window_bounds = array<i64: 1, 128>}, {pipeline_mode = #tpu.pipeline_mode<synchronous>, transform_indices = @transform_5, window_bounds = array<i64: 1, 128>}, {pipeline_mode = #tpu.pipeline_mode<synchronous>, transform_indices = @transform_6, window_bounds = array<i64: 1, 128>}, {pipeline_mode = #tpu.pipeline_mode<synchronous>, transform_indices = @transform_7, window_bounds = array<i64: 1, 128>}, {pipeline_mode = #tpu.pipeline_mode<synchronous>, transform_indices = @transform_8, window_bounds = array<i64: 1, 128>}, {pipeline_mode = #tpu.pipeline_mode<synchronous>, transform_indices = @transform_9, window_bounds = array<i64: 1, 128>}, {pipeline_mode = #tpu.pipeline_mode<synchronous>, transform_indices = @transform_10, window_bounds = array<i64: 1, 128>}, {pipeline_mode = #tpu.pipeline_mode<synchronous>, transform_indices = @transform_11, window_bounds = array<i64: 1, 128>}, {pipeline_mode = #tpu.pipeline_mode<synchronous>, transform_indices = @transform_12, window_bounds = array<i64: 1, 128>}, {pipeline_mode = #tpu.pipeline_mode<synchronous>, transform_indices = @transform_13, window_bounds = array<i64: 64, 128>}]} {
    %get3A = arith.constant 0 : index
    %get3A_0 = arith.constant 0 : index
    %get3A_1 = arith.constant 0 : index
    %get3A_2 = vector.load %arg1[%get3A, %get3A_0, %get3A_1] : memref<2x64x128xf32, #tpu.memory_space<vmem>>, vector<1x64x128xf32>
    %get3A_3 = vector.shape_cast %get3A_2 : vector<1x64x128xf32> to vector<64x128xf32>
    %get3A_4 = arith.constant 1 : index
    %get3A_5 = arith.constant 0 : index
    %get3A_6 = arith.constant 0 : index
    %get3A_7 = vector.load %arg1[%get3A_4, %get3A_5, %get3A_6] : memref<2x64x128xf32, #tpu.memory_space<vmem>>, vector<1x64x128xf32>
    %get3A_8 = vector.shape_cast %get3A_7 : vector<1x64x128xf32> to vector<64x128xf32>
    %add3A = arith.addf %get3A_3, %get3A_8 : vector<64x128xf32>
    %get3A_9 = arith.constant 0 : index
    %get3A_10 = arith.constant 0 : index
    %get3A_11 = vector.load %arg2[%get3A_9, %get3A_10] : memref<128x128xf32, #tpu.memory_space<vmem>>, vector<128x128xf32>
    %dot_general3A = arith.constant dense<0.000000e+00> : vector<64x128xf32>
    %dot_general3A_12 = tpu.matmul %add3A, %get3A_11, %dot_general3A {dimension_numbers = #tpu.dot_dimension_numbers<[1], [0], [0], [1], [0, 0, 1, 1], [], []>, transpose_lhs_hint = false} : vector<64x128xf32>, vector<128x128xf32>, vector<64x128xf32> -> vector<64x128xf32>
    %get3A_13 = arith.constant 0 : index
    %get3A_14 = arith.constant 0 : index
    %get3A_15 = vector.load %arg5[%get3A_13, %get3A_14] : memref<1x128xf32, #tpu.memory_space<vmem>>, vector<1x128xf32>
    %add3A_16 = vector.broadcast %get3A_15 : vector<1x128xf32> to vector<64x128xf32>
    %add3A_17 = arith.addf %dot_general3A_12, %add3A_16 : vector<64x128xf32>
    %reduce_sum3A = arith.constant dense<0.000000e+00> : vector<64xf32>
    %reduce_sum3A_18 = vector.multi_reduction <add>, %add3A_17, %reduce_sum3A [1] : vector<64x128xf32> to vector<64xf32>
    %broadcast_in_dim3A = vector.shape_cast %reduce_sum3A_18 : vector<64xf32> to vector<64x1xf32>
    %div3A = arith.constant 1.280000e+02 : f32
    %div3A_19 = vector.broadcast %div3A : f32 to vector<64x1xf32>
    %div3A_20 = arith.divf %broadcast_in_dim3A, %div3A_19 : vector<64x1xf32>
    %sub3A = vector.broadcast %div3A_20 : vector<64x1xf32> to vector<64x128xf32>
    %sub3A_21 = arith.subf %add3A_17, %sub3A : vector<64x128xf32>
    %integer_pow3A = arith.mulf %sub3A_21, %sub3A_21 : vector<64x128xf32>
    %reduce_sum3A_22 = arith.constant dense<0.000000e+00> : vector<64xf32>
    %reduce_sum3A_23 = vector.multi_reduction <add>, %integer_pow3A, %reduce_sum3A_22 [1] : vector<64x128xf32> to vector<64xf32>
    %broadcast_in_dim3A_24 = vector.shape_cast %reduce_sum3A_23 : vector<64xf32> to vector<64x1xf32>
    %div3A_25 = arith.constant 1.280000e+02 : f32
    %div3A_26 = vector.broadcast %div3A_25 : f32 to vector<64x1xf32>
    %div3A_27 = arith.divf %broadcast_in_dim3A_24, %div3A_26 : vector<64x1xf32>
    %sub3A_28 = vector.broadcast %div3A_20 : vector<64x1xf32> to vector<64x128xf32>
    %sub3A_29 = arith.subf %add3A_17, %sub3A_28 : vector<64x128xf32>
    %add3A_30 = arith.constant 9.99999974E-6 : f32
    %add3A_31 = vector.broadcast %add3A_30 : f32 to vector<64x1xf32>
    %add3A_32 = arith.addf %div3A_27, %add3A_31 : vector<64x1xf32>
    %rsqrt3A = math.rsqrt %add3A_32 : vector<64x1xf32>
    %mul3A = vector.broadcast %rsqrt3A : vector<64x1xf32> to vector<64x128xf32>
    %mul3A_33 = arith.mulf %sub3A_29, %mul3A : vector<64x128xf32>
    %get3A_34 = arith.constant 0 : index
    %get3A_35 = arith.constant 0 : index
    %get3A_36 = vector.load %arg6[%get3A_34, %get3A_35] : memref<1x128xf32, #tpu.memory_space<vmem>>, vector<1x128xf32>
    %mul3A_37 = vector.broadcast %get3A_36 : vector<1x128xf32> to vector<64x128xf32>
    %mul3A_38 = arith.mulf %mul3A_33, %mul3A_37 : vector<64x128xf32>
    %get3A_39 = arith.constant 0 : index
    %get3A_40 = arith.constant 0 : index
    %get3A_41 = vector.load %arg7[%get3A_39, %get3A_40] : memref<1x128xf32, #tpu.memory_space<vmem>>, vector<1x128xf32>
    %add3A_42 = vector.broadcast %get3A_41 : vector<1x128xf32> to vector<64x128xf32>
    %add3A_43 = arith.addf %mul3A_38, %add3A_42 : vector<64x128xf32>
    %mul3A_44 = arith.constant 5.000000e-01 : f32
    %mul3A_45 = vector.broadcast %mul3A_44 : f32 to vector<64x128xf32>
    %mul3A_46 = arith.mulf %mul3A_45, %add3A_43 : vector<64x128xf32>
    %mul3A_47 = arith.constant 0.707106769 : f32
    %mul3A_48 = vector.broadcast %mul3A_47 : f32 to vector<64x128xf32>
    %mul3A_49 = arith.mulf %add3A_43, %mul3A_48 : vector<64x128xf32>
    %erf3A = math.erf %mul3A_49 : vector<64x128xf32>
    %add3A_50 = arith.constant 1.000000e+00 : f32
    %add3A_51 = vector.broadcast %add3A_50 : f32 to vector<64x128xf32>
    %add3A_52 = arith.addf %add3A_51, %erf3A : vector<64x128xf32>
    %mul3A_53 = arith.mulf %mul3A_46, %add3A_52 : vector<64x128xf32>
    %reduce_sum3A_54 = arith.constant dense<0.000000e+00> : vector<64xf32>
    %reduce_sum3A_55 = vector.multi_reduction <add>, %mul3A_53, %reduce_sum3A_54 [1] : vector<64x128xf32> to vector<64xf32>
    %broadcast_in_dim3A_56 = vector.shape_cast %reduce_sum3A_55 : vector<64xf32> to vector<64x1xf32>
    %div3A_57 = arith.constant 1.280000e+02 : f32
    %div3A_58 = vector.broadcast %div3A_57 : f32 to vector<64x1xf32>
    %div3A_59 = arith.divf %broadcast_in_dim3A_56, %div3A_58 : vector<64x1xf32>
    %sub3A_60 = vector.broadcast %div3A_59 : vector<64x1xf32> to vector<64x128xf32>
    %sub3A_61 = arith.subf %mul3A_53, %sub3A_60 : vector<64x128xf32>
    %integer_pow3A_62 = arith.mulf %sub3A_61, %sub3A_61 : vector<64x128xf32>
    %reduce_sum3A_63 = arith.constant dense<0.000000e+00> : vector<64xf32>
    %reduce_sum3A_64 = vector.multi_reduction <add>, %integer_pow3A_62, %reduce_sum3A_63 [1] : vector<64x128xf32> to vector<64xf32>
    %broadcast_in_dim3A_65 = vector.shape_cast %reduce_sum3A_64 : vector<64xf32> to vector<64x1xf32>
    %div3A_66 = arith.constant 1.280000e+02 : f32
    %div3A_67 = vector.broadcast %div3A_66 : f32 to vector<64x1xf32>
    %div3A_68 = arith.divf %broadcast_in_dim3A_65, %div3A_67 : vector<64x1xf32>
    %sub3A_69 = vector.broadcast %div3A_59 : vector<64x1xf32> to vector<64x128xf32>
    %sub3A_70 = arith.subf %mul3A_53, %sub3A_69 : vector<64x128xf32>
    %add3A_71 = arith.constant 9.99999974E-6 : f32
    %add3A_72 = vector.broadcast %add3A_71 : f32 to vector<64x1xf32>
    %add3A_73 = arith.addf %div3A_68, %add3A_72 : vector<64x1xf32>
    %rsqrt3A_74 = math.rsqrt %add3A_73 : vector<64x1xf32>
    %mul3A_75 = vector.broadcast %rsqrt3A_74 : vector<64x1xf32> to vector<64x128xf32>
    %mul3A_76 = arith.mulf %sub3A_70, %mul3A_75 : vector<64x128xf32>
    %get3A_77 = arith.constant 0 : index
    %get3A_78 = arith.constant 0 : index
    %get3A_79 = vector.load %arg8[%get3A_77, %get3A_78] : memref<1x128xf32, #tpu.memory_space<vmem>>, vector<1x128xf32>
    %mul3A_80 = vector.broadcast %get3A_79 : vector<1x128xf32> to vector<64x128xf32>
    %mul3A_81 = arith.mulf %mul3A_76, %mul3A_80 : vector<64x128xf32>
    %get3A_82 = arith.constant 0 : index
    %get3A_83 = arith.constant 0 : index
    %get3A_84 = vector.load %arg9[%get3A_82, %get3A_83] : memref<1x128xf32, #tpu.memory_space<vmem>>, vector<1x128xf32>
    %add3A_85 = vector.broadcast %get3A_84 : vector<1x128xf32> to vector<64x128xf32>
    %add3A_86 = arith.addf %mul3A_81, %add3A_85 : vector<64x128xf32>
    %get3A_87 = arith.constant 0 : index
    %get3A_88 = arith.constant 0 : index
    %get3A_89 = vector.load %arg3[%get3A_87, %get3A_88] : memref<128x128xf32, #tpu.memory_space<vmem>>, vector<128x128xf32>
    %dot_general3A_90 = arith.constant dense<0.000000e+00> : vector<64x128xf32>
    %dot_general3A_91 = tpu.matmul %add3A_86, %get3A_89, %dot_general3A_90 {dimension_numbers = #tpu.dot_dimension_numbers<[1], [0], [0], [1], [0, 0, 1, 1], [], []>, transpose_lhs_hint = false} : vector<64x128xf32>, vector<128x128xf32>, vector<64x128xf32> -> vector<64x128xf32>
    %get3A_92 = arith.constant 0 : index
    %get3A_93 = arith.constant 0 : index
    %get3A_94 = vector.load %arg10[%get3A_92, %get3A_93] : memref<1x128xf32, #tpu.memory_space<vmem>>, vector<1x128xf32>
    %add3A_95 = vector.broadcast %get3A_94 : vector<1x128xf32> to vector<64x128xf32>
    %add3A_96 = arith.addf %dot_general3A_91, %add3A_95 : vector<64x128xf32>
    %mul3A_97 = arith.constant 5.000000e-01 : f32
    %mul3A_98 = vector.broadcast %mul3A_97 : f32 to vector<64x128xf32>
    %mul3A_99 = arith.mulf %mul3A_98, %add3A_96 : vector<64x128xf32>
    %mul3A_100 = arith.constant 0.707106769 : f32
    %mul3A_101 = vector.broadcast %mul3A_100 : f32 to vector<64x128xf32>
    %mul3A_102 = arith.mulf %add3A_96, %mul3A_101 : vector<64x128xf32>
    %erf3A_103 = math.erf %mul3A_102 : vector<64x128xf32>
    %add3A_104 = arith.constant 1.000000e+00 : f32
    %add3A_105 = vector.broadcast %add3A_104 : f32 to vector<64x128xf32>
    %add3A_106 = arith.addf %add3A_105, %erf3A_103 : vector<64x128xf32>
    %mul3A_107 = arith.mulf %mul3A_99, %add3A_106 : vector<64x128xf32>
    %get3A_108 = arith.constant 0 : index
    %get3A_109 = arith.constant 0 : index
    %get3A_110 = vector.load %arg4[%get3A_108, %get3A_109] : memref<128x128xf32, #tpu.memory_space<vmem>>, vector<128x128xf32>
    %dot_general3A_111 = arith.constant dense<0.000000e+00> : vector<64x128xf32>
    %dot_general3A_112 = tpu.matmul %mul3A_107, %get3A_110, %dot_general3A_111 {dimension_numbers = #tpu.dot_dimension_numbers<[1], [0], [0], [1], [0, 0, 1, 1], [], []>, transpose_lhs_hint = false} : vector<64x128xf32>, vector<128x128xf32>, vector<64x128xf32> -> vector<64x128xf32>
    %add3A_113 = arith.addf %mul3A_53, %dot_general3A_112 : vector<64x128xf32>
    %get3A_114 = arith.constant 0 : index
    %get3A_115 = arith.constant 0 : index
    %get3A_116 = vector.load %arg11[%get3A_114, %get3A_115] : memref<1x128xf32, #tpu.memory_space<vmem>>, vector<1x128xf32>
    %add3A_117 = vector.broadcast %get3A_116 : vector<1x128xf32> to vector<64x128xf32>
    %add3A_118 = arith.addf %add3A_113, %add3A_117 : vector<64x128xf32>
    %get3A_119 = arith.constant 0 : index
    %get3A_120 = arith.constant 0 : index
    %get3A_121 = vector.load %arg12[%get3A_119, %get3A_120] : memref<1x128xf32, #tpu.memory_space<vmem>>, vector<1x128xf32>
    %mul3A_122 = vector.broadcast %get3A_121 : vector<1x128xf32> to vector<64x128xf32>
    %mul3A_123 = arith.mulf %add3A_118, %mul3A_122 : vector<64x128xf32>
    %reduce_sum3A_124 = arith.constant dense<0.000000e+00> : vector<64xf32>
    %reduce_sum3A_125 = vector.multi_reduction <add>, %mul3A_123, %reduce_sum3A_124 [1] : vector<64x128xf32> to vector<64xf32>
    %broadcast_in_dim3A_126 = vector.shape_cast %reduce_sum3A_125 : vector<64xf32> to vector<64x1xf32>
    %get3A_127 = arith.constant 0 : index
    %get3A_128 = arith.constant 0 : index
    %get3A_129 = vector.load %arg13[%get3A_127, %get3A_128] : memref<1x128xf32, #tpu.memory_space<vmem>>, vector<1x1xf32>
    %get3A_130 = vector.extract %get3A_129[0, 0] : f32 from vector<1x1xf32>
    %add3A_131 = vector.broadcast %get3A_130 : f32 to vector<64x1xf32>
    %add3A_132 = arith.addf %broadcast_in_dim3A_126, %add3A_131 : vector<64x1xf32>
    %broadcast_in_dim3A_133 = vector.shape_cast %add3A_132 : vector<64x1xf32> to vector<64x1xf32>
    %broadcast_in_dim3A_134 = vector.broadcast %broadcast_in_dim3A_133 : vector<64x1xf32> to vector<64x128xf32>
    %swap3A = arith.constant 0 : index
    %swap3A_135 = arith.constant 0 : index
    %swap3A_136 = vector.load %arg14[%swap3A, %swap3A_135] : memref<64x128xf32, #tpu.memory_space<vmem>>, vector<64x128xf32>
    tpu.vector_store %arg14[%swap3A, %swap3A_135], %broadcast_in_dim3A_134 {strides = array<i32>} : memref<64x128xf32, #tpu.memory_space<vmem>>, vector<64x128xf32>,
    return
  }
  func.func @transform_0(%arg0: i32) -> (i32, i32, i32) {
    %c0_i32 = arith.constant 0 : i32
    %c0_i32_0 = arith.constant 0 : i32
    %c0_i32_1 = arith.constant 0 : i32
    %c0_i32_2 = arith.constant 0 : i32
    return %c0_i32, %c0_i32_0, %c0_i32_1 : i32, i32, i32
  }
  func.func @transform_1(%arg0: i32) -> (i32, i32) {
    %c0_i32 = arith.constant 0 : i32
    %c0_i32_0 = arith.constant 0 : i32
    %c0_i32_1 = arith.constant 0 : i32
    return %c0_i32, %c0_i32_0 : i32, i32
  }
  func.func @transform_2(%arg0: i32) -> (i32, i32) {
    %c0_i32 = arith.constant 0 : i32
    %c0_i32_0 = arith.constant 0 : i32
    %c0_i32_1 = arith.constant 0 : i32
    return %c0_i32, %c0_i32_0 : i32, i32
  }
  func.func @transform_3(%arg0: i32) -> (i32, i32) {
    %c0_i32 = arith.constant 0 : i32
    %c0_i32_0 = arith.constant 0 : i32
    %c0_i32_1 = arith.constant 0 : i32
    return %c0_i32, %c0_i32_0 : i32, i32
  }
  func.func @transform_4(%arg0: i32) -> (i32, i32) {
    %c0_i32 = arith.constant 0 : i32
    %c0_i32_0 = arith.constant 0 : i32
    %c0_i32_1 = arith.constant 0 : i32
    return %c0_i32, %c0_i32_0 : i32, i32
  }
  func.func @transform_5(%arg0: i32) -> (i32, i32) {
    %c0_i32 = arith.constant 0 : i32
    %c0_i32_0 = arith.constant 0 : i32
    %c0_i32_1 = arith.constant 0 : i32
    return %c0_i32, %c0_i32_0 : i32, i32
  }
  func.func @transform_6(%arg0: i32) -> (i32, i32) {
    %c0_i32 = arith.constant 0 : i32
    %c0_i32_0 = arith.constant 0 : i32
    %c0_i32_1 = arith.constant 0 : i32
    return %c0_i32, %c0_i32_0 : i32, i32
  }
  func.func @transform_7(%arg0: i32) -> (i32, i32) {
    %c0_i32 = arith.constant 0 : i32
    %c0_i32_0 = arith.constant 0 : i32
    %c0_i32_1 = arith.constant 0 : i32
    return %c0_i32, %c0_i32_0 : i32, i32
  }
  func.func @transform_8(%arg0: i32) -> (i32, i32) {
    %c0_i32 = arith.constant 0 : i32
    %c0_i32_0 = arith.constant 0 : i32
    %c0_i32_1 = arith.constant 0 : i32
    return %c0_i32, %c0_i32_0 : i32, i32
  }
  func.func @transform_9(%arg0: i32) -> (i32, i32) {
    %c0_i32 = arith.constant 0 : i32
    %c0_i32_0 = arith.constant 0 : i32
    %c0_i32_1 = arith.constant 0 : i32
    return %c0_i32, %c0_i32_0 : i32, i32
  }
  func.func @transform_10(%arg0: i32) -> (i32, i32) {
    %c0_i32 = arith.constant 0 : i32
    %c0_i32_0 = arith.constant 0 : i32
    %c0_i32_1 = arith.constant 0 : i32
    return %c0_i32, %c0_i32_0 : i32, i32
  }
  func.func @transform_11(%arg0: i32) -> (i32, i32) {
    %c0_i32 = arith.constant 0 : i32
    %c0_i32_0 = arith.constant 0 : i32
    %c0_i32_1 = arith.constant 0 : i32
    return %c0_i32, %c0_i32_0 : i32, i32
  }
  func.func @transform_12(%arg0: i32) -> (i32, i32) {
    %c0_i32 = arith.constant 0 : i32
    %c0_i32_0 = arith.constant 0 : i32
    %c0_i32_1 = arith.constant 0 : i32
    return %c0_i32, %c0_i32_0 : i32, i32
  }
  func.func @transform_13(%arg0: i32) -> (i32, i32) {
    %c0_i32 = arith.constant 0 : i32
    %c0_i32_0 = arith.constant 0 : i32
    %c0_i32_1 = arith.constant 0 : i32
    return %c0_i32, %c0_i32_0 : i32, i32
  }
}

</mosaic_0001>

<sc_bundles>
// kernel: kernel.5.cloned.1.call-start
scs
__scs_entry_jumppad:
0x0: {  	(pc) =	sbr.rel $0x88, $3  }
0x1: {  	(tag) =	ssettag $0x0;
	lr =	simm.s32 $0x1  }
0x2: {  	[smem:$0x3F8E] =	sst lr;
	_ =	strace $0xD0000000  }
0x3: {  	_ = 	snop  }
0x4: {  	_ = 	snop  }
0x5: {  	_ = 	snop  }
0x6: {  	_ = 	snop  }
0x7: {  	_ = 	snop  }
__scs_overlays_trampoline_lowered:
0x8: {  	[smem:$0x3F9D] =	sst s0  }
0x9: {  	[smem:$0x3F9E] =	sst s1  }
0xa: {  	[smem:$0x3F9F] =	sst s2  }
0xb: {  	[smem:$0x3FA0] =	sst s3  }
0xc: {  	[smem:$0x3FA1] =	sst s4  }
0xd: {  	[smem:$0x3FA2] =	sst s5  }
0xe: {  	[smem:$0x3FA3] =	sst s6  }
0xf: {  	[smem:$0x3FA4] =	sst s7  }
0x10: {  	[smem:$0x3FA5] =	sst s8  }
0x11: {  	[smem:$0x3FA6] =	sst s9;
	s0 =	simm.s32 @!p0 $0x0  }
0x12: {  	s1 =	sld [smem:$0x3F8C];
	s0 =	simm.s32 @p0 $0x1  }
0x13: {  	[smem:$0x3FA7] =	sst s0;
	s0 =	simm.s32 @!p1 $0x0  }
0x14: {  	s2 =	sld [smem:$0x3F8B];
	s0 =	simm.s32 @p1 $0x1  }
0x15: {  	[smem:$0x3FA8] =	sst s0;
	s0 =	simm.s32 @!p2 $0x0  }
0x16: {  	s3 =	sld [smem:$0x3FDB];
	s0 =	simm.s32 @p2 $0x1  }
0x17: {  	s4 =	simm.s32 $0x1BF5;
	[smem:$0x3FAA] =	sst s0  }
0x18: {  	s0 =	sld [smem:$0x3F8D];
	_ =	swait.ge [sflag:s4], $0x0  }
0x19: {  	s7 =	sld [smem:$0x3F8E]  }
0x1a: {  	s8 =	sadd.s32 $0xFFFFE003, lr  }
0x1b: {  	s9 =	sadd.s32 $0xFFFFFEF7, lr;
	s5 =	simm.s32 $0xFFFFFFFF;
	p2 =	slt.u32 s8, $0xFFFFF086  }
0x1c: {  	p1 =	slt.u32 s9, $0xF7A;
	s5 =	simm.s32 @!p2 $0x0  }
0x1d: {  	s5 =	simm.s32 @p1 $0x1;
	p0 =	seq.s32 s7, s2  }
0x1e: {  	s7 =	smul.u32 @!p0 $0xF7A, s2;
	p2 =	seq.s32 @!p0 s5, $0x0  }
0x1f: {  	s9 =	smul.u32 $0xF7A, s1;
	s8 =	simm.s32 @!p0 $0x1BF5;
	p2 =	por !p2, p0  }
0x20: {  	[sflag:s8] =	ssyncset.s32 @!p0 $0xFFFFF086;
	s6 =	sadd.s32 @!p0 s3, s7;
	s7 =	simm.s32 @!p0 $0x108  }
0x21: {  	s3 =	sadd.s32 s3, s9;
	s6 =	sadd.s32 @!p0 $0x88, s6;
	s7 =	simm.s32 @p2 $0x1082  }
0x22: {  	[simem:s7], [sflag:s8] =	dma.local @!p0 [hbm:s6], $0xF7A  }
0x23: {  	s9 =	sor.u32 $0xD0000000, s2;
	s6 =	simm.s32 $0x108;
	_ =	swait.ge @!p0 [sflag:s8], $0x0  }
0x24: {  	s3 =	sadd.s32 $0x88, s3;
	s6 =	simm.s32 @!p1 $0x1082;
	[sflag:s4] =	ssyncset.s32 $0xFFFFF086  }
0x25: {  	[simem:s6], [sflag:s4] =	dma.local [hbm:s3], $0xF7A  }
0x26: {  	[smem:$0x3F8E] =	sst s1;
	(tag) =	ssettag s2;
	_ =	strace s9  }
0x27: {  	s1 =	sld [smem:$0x3F9E]  }
0x28: {  	s2 =	sld [smem:$0x3F9F]  }
0x29: {  	s4 =	sld [smem:$0x3FA1]  }
0x2a: {  	p0 =	seq.s32 s5, $0x0;
	s5 =	sld [smem:$0x3FA2]  }
0x2b: {  	s6 =	sld [smem:$0x3FA3]  }
0x2c: {  	s7 =	sld [smem:$0x3FA4]  }
0x2d: {  	s3 =	simm.s32 $0x108;
	s8 =	sld [smem:$0x3FA5]  }
0x2e: {  	s3 =	simm.s32 @!p0 $0x1082;
	s9 =	sld [smem:$0x3FA6]  }
0x2f: {  	lr =	sadd.s32 s0, s3;
	s0 =	sld [smem:$0x3F9D]  }
0x30: {  	s3 =	sld [smem:$0x3FA0]  }
0x31: {  	[smem:$0x3FA9] =	sst s10  }
0x32: {  	s10 =	sld [smem:$0x3FA7];
	_ =	sdelay $0x3  }
0x33: {  	p0 =	seq.s32 s10, $0x1;
	s10 =	sld [smem:$0x3FA9];
	_ =	sdelay $0x3  }
0x34: {  	[smem:$0x3FA9] =	sst s10  }
0x35: {  	s10 =	sld [smem:$0x3FA8];
	_ =	sdelay $0x3  }
0x36: {  	p1 =	seq.s32 s10, $0x1;
	s10 =	sld [smem:$0x3FA9];
	_ =	sdelay $0x3  }
0x37: {  	[smem:$0x3FA9] =	sst s10  }
0x38: {  	s10 =	sld [smem:$0x3FAA]  }
0x39: {  	_ = 	snop;
	(pc) =	sbr.ind lr, $3  }
0x3a: {  	_ = 	snop  }
0x3b: {  	_ = 	snop  }
0x3c: {  	p2 =	seq.s32 s10, $0x1;
	s10 =	sld [smem:$0x3FA9]  }
0x3d: {  	_ =	shalt  }
0x3e: {  	_ =	shalt  }
0x3f: {  	_ =	shalt  }
0x40: {  	_ =	shalt  }
0x41: {  	_ =	shalt  }
0x42: {  	_ =	shalt  }
0x43: {  	_ =	shalt  }
0x44: {  	_ =	shalt  }
0x45: {  	_ =	shalt  }
0x46: {  	_ =	shalt  }
0x47: {  	_ =	shalt  }
0x48: {  	_ =	shalt  }
0x49: {  	_ =	shalt  }
0x4a: {  	_ =	shalt  }
0x4b: {  	_ =	shalt  }
0x4c: {  	_ =	shalt  }
0x4d: {  	_ =	shalt  }
0x4e: {  	_ =	shalt  }
0x4f: {  	_ =	shalt  }
0x50: {  	_ =	shalt  }
0x51: {  	_ =	shalt  }
0x52: {  	_ =	shalt  }
0x53: {  	_ =	shalt  }
0x54: {  	_ =	shalt  }
0x55: {  	_ =	shalt  }
0x56: {  	_ =	shalt  }
0x57: {  	_ =	shalt  }
0x58: {  	_ =	shalt  }
0x59: {  	_ =	shalt  }
0x5a: {  	_ =	shalt  }
0x5b: {  	_ =	shalt  }
0x5c: {  	_ =	shalt  }
0x5d: {  	_ =	shalt  }
0x5e: {  	_ =	shalt  }
0x5f: {  	_ =	shalt  }
0x60: {  	_ =	shalt  }
0x61: {  	_ =	shalt  }
0x62: {  	_ =	shalt  }
0x63: {  	_ =	shalt  }
0x64: {  	_ =	shalt  }
0x65: {  	_ =	shalt  }
0x66: {  	_ =	shalt  }
0x67: {  	_ =	shalt  }
0x68: {  	_ =	shalt  }
0x69: {  	_ =	shalt  }
0x6a: {  	_ =	shalt  }
0x6b: {  	_ =	shalt  }
0x6c: {  	_ =	shalt  }
0x6d: {  	_ =	shalt  }
0x6e: {  	_ =	shalt  }
0x6f: {  	_ =	shalt  }
0x70: {  	_ =	shalt  }
0x71: {  	_ =	shalt  }
0x72: {  	_ =	shalt  }
0x73: {  	_ =	shalt  }
0x74: {  	_ =	shalt  }
0x75: {  	_ =	shalt  }
0x76: {  	_ =	shalt  }
0x77: {  	_ =	shalt  }
0x78: {  	_ =	shalt  }
0x79: {  	_ =	shalt  }
0x7a: {  	_ =	shalt  }
0x7b: {  	_ =	shalt  }
0x7c: {  	_ =	shalt  }
0x7d: {  	_ =	shalt  }
0x7e: {  	_ =	shalt  }
0x7f: {  	_ =	shalt  }
0x80: {  	_ =	shalt  }
0x81: {  	_ =	shalt  }
0x82: {  	_ =	shalt  }
0x83: {  	_ =	shalt  }
0x84: {  	_ =	shalt  }
0x85: {  	_ =	shalt  }
0x86: {  	_ =	shalt  }
0x87: {  	_ =	shalt  }
.Lfunc_end0:
.L_simem_size_0:
called_computation_lowered:
.L_overlay_start_0:
0x88: {  	s2 =	sld [smem:$0x3FD9]  }
0x89: {  	s3 =	sld [smem:$0x3FFE];
	_ =	sdelay $0x1  }
0x8a: {  	s1 =	srdreg.scid  }
0x8b: {  	s0 =	sand.u32 $0x1, s1  }
0x8c: {  	s17 =	sshll.u32 s0, $0xA;
	s2 =	sadd.s32 s3, s2  }
0x8d: {  	s2 =	sadd.s32 s2, s17  }
0x8e: {  	[smem:$0x3FB5] =	sst s2  }
0x8f: {  	_ = 	snop  }
0x90: {  	s2 =	sld [smem:$0x3FC8];
	(tm) =	ssettm $0x1  }
0x91: {  	s18 =	sld [smem:$0x3FFB];
	_ =	sdelay $0x3  }
0x92: {  	_ =	strace s18  }
0x93: {  	s3 =	sld [smem:$0x3FFC];
	_ =	sdelay $0x3  }
0x94: {  	_ =	strace s3  }
0x95: {  	s3 =	sld [smem:$0x3FFD];
	_ =	sdelay $0x3  }
0x96: {  	_ =	strace s3  }
0x97: {  	_ =	strace $0x8FFFFFFF  }
0x98: {  	s19 =	sld [smem:$0x3FDB];
	_ =	sdelay $0x1  }
0x99: {  	s4 =	simm.s32 $_scs_section_size  }
0x9a: {  	s5 =	simm.s32 $_size__tile_overlayer_lowered;
	s6 =	simm.s32 $_tile_overlayer_lowered  }
0x9b: {  	s22 =	simm.s32 $0x1BFF;
	s21 =	sshll.u32 s6, $0x1;
	s3 =	sadd.s32 s4, s19  }
0x9c: {  	s7 =	simm.s32 $0x0;
	s20 =	sshll.u32 s5, $0x1;
	s5 =	sadd.s32 s21, s3  }
0x9d: {  	[timem:s7], [sflag:s22] =	dma.local [hbm:s5], s20  }
0x9e: {  	_ =	swait.ge [sflag:s22], s20  }
0x9f: {  	s4 =	ssub.s32 $0x0, s20;
	[sflag:s22] =	ssyncset.done $0x0  }
0xa0: {  	[sflag:s22] =	ssyncadd.s32 s4;
	_ =	sdelay $0x1  }
0xa1: {  	s23 =	simm.s32 $0x1B8B  }
0xa2: {  	_ =	swait.ge [sflag:s23], $0x1  }
0xa3: {  	[sflag:s23] =	ssyncset.done $0x0  }
0xa4: {  	s25 =	simm.s32 $0x1B8E;
	s24 =	sld [smem:$0x3FFE];
	[sflag:s23] =	ssyncadd.s32 $0xFFFFFFFF  }
0xa5: {  	s26 =	simm.s32 $execute0_lowered;
	[smem:$0x3FD2] =	sst s25  }
0xa6: {  	s5 =	sshll.u32 s26, $0x1;
	_ =	strace $0x80000046;
	[dreg:$0x1] =	wrdreg $0xFFFFFFFF  }
0xa7: {  	s28 =	simm.s32 $_size_execute0_lowered;
	s3 =	sadd.s32 s3, s5;
	[dreg:$0x0] =	wrdreg $0x0  }
0xa8: {  	s5 =	sshll.u32 s28, $0x1;
	[dreg:$0x2] =	wrdreg s3  }
0xa9: {  	[dreg:$0x3] =	wrdreg s5  }
0xaa: {  	[dreg:$0x4] =	wrdreg $0xC0  }
0xab: {  	_ =	task [dreg:s7], $0x5FFFF  }
0xac: {  	[dreg:$0x1] =	wrdreg $0xFFFFFFFF  }
0xad: {  	[dreg:$0x0] =	wrdreg $0x60  }
0xae: {  	[dreg:$0x2] =	wrdreg s24  }
0xaf: {  	[dreg:$0x3] =	wrdreg s2  }
0xb0: {  	[dreg:$0x4] =	wrdreg $0xCA000  }
0xb1: {  	[dreg:$0x5] =	wrdreg $0x9  }
0xb2: {  	_ =	task.clear_ibuf [dreg:s7], $0x6FFFF;
	_ =	strace $0x90000046  }
0xb3: {  	s29 =	simm.s32 $0x9;
	_ =	strace $0x80000048  }
0xb4: {  	_ =	swait.ge [sflag:s29], $0x1  }
0xb5: {  	[sflag:s29] =	ssyncadd.s32 $0xFFFFFFFF  }
0xb6: {  	_ =	strace $0x90000048  }
0xb7: {  	_ =	sfence  }
0xb8: {  	s30 =	sld [smem:$0x0];
	_ =	sdelay $0x2  }
0xb9: {  	s31 =	sshll.u32 s1, $0xD;
	s1 =	sshrl.u32 s1, $0x2  }
0xba: {  	s3 =	sand.u32 $0x4000, s31;
	s1 =	sadd.s32 s1, s30  }
0xbb: {  	s0 =	sor.u32 s3, s0;
	s1 =	sshll.u32 s1, $0x11  }
0xbc: {  	s0 =	sor.u32 s1, s0  }
0xbd: {  	s0 =	sadd.s32 $0x8F2B, s0  }
0xbe: {  	[sflag:s0] =	ssyncadd.remote.s32 $0x1  }
0xbf: {  	_ =	sfence.sel $0xFFFF  }
0xc0: {  	[dreg:$0x0] =	wrdreg $0xFFFFFFFF;
	(pc) =	sbr.abs _section_cstart, $3  }
0xc1: {  	[dreg:$0x1] =	wrdreg $0xFFFFFFFF  }
0xc2: {  	_ =	task.clear_ibuf [dreg:s7], $0x2FFFF;
	_ =	strace $0x9FFFFFFF  }
0xc3: {  	(tm) =	ssettm $0x7FFFFFFF  }
tec
execute0_lowered:
.L_overlay_start_1:
0x0: {  	(tag) =	ssettag $0x1  }
0x1: {  	s0 =	srdreg.scid  }
0x2: {  	s3 =	sand.u32 $0x1, s0  }
0x3: {  	s29 =	ssub.s32 $0x2, s3  }
0x4: {  	s2 =	rddreg [dreg:$0x0];
	s5 =	simm.s32 $0x0;
	s30 =	sshrl.u32 s29, $0x1  }
0x5: {  	[smem:$0x7FF] =	sst s5;
	s5 =	ssub.s32 s29, s30  }
0x6: {  	s7 =	stileid.u32;
	s0 =	sshll.u32 s3, $0x4;
	s31 =	smax.u32 s5, $0x1  }
0x7: {  	s4 =	rddreg [dreg:$0x1];
	s8 =	sor.u32 s7, s0;
	s13 =	sadd.s32 $0xFFFFFFFF, s31  }
0x8: {  	s1 =	rddreg [dreg:$0x2];
	s6 =	smul.u32 $0x1900, s8;
	p3 =	sne.s32 s13, $0x0  }
.Ltmp0:
0x9: {  	p2 =	por $0x0, $0x0;
	p0 =	sne.s32 s7, $0x0;
	(pc) =	sbr.rel @!p3 .LBB2_3-.Ltmp0, $4  }
0xa: {  	s3 =	sshll.u32 s3, $0xA;
	s0 =	rddreg [dreg:$0x3];
	s10 =	smul.u32 $0x32, s8  }
0xb: {  	_ =	strace $0x80000047;
	s3 =	sadd.s32 s3, s2;
	p1 =	sgt.u32 s8, $0x18  }
0xc: {  	s9 =	sadd.s32 s6, s2;
	s6 =	sadd.s32 $0x29C00, s2;
	s5 =	sadd.s32 s4, s10  }
0xd: {  	s2 =	sadd.s32 $0x2A000, s3;
	s3 =	sshrl.u32 @!p0 s1, $0x3;
	s4 =	sadd.s32 $0x2A00, s9  }
0xe: {  	s8 =	simm.s32 @!p0 $0x1C01;
	s7 =	simm.s32 @!p0 $0x1  }
0xf: {  	[spmem:s3], [sflag:s8] =	dma.local @!p0 [hbm:s6], $0x400  }
0x10: {  	_ =	swait.ge @!p0 [sflag:s7], $0x400  }
0x11: {  	[sflag:s7] =	ssyncset.done @!p0 $0x0  }
0x12: {  	[sflag:s7] =	ssyncadd.s32 @!p0 $0xFFFFFC00  }
0x13: {  	s9 =	simm.s32 @!p1 $0x0;
	s10 =	simm.s32 @!p1 $0x1;
	[bflag:$0x0] =	sbarrier.arrive $0xFFFF  }
0x14: {  	[tilespmem:s9], [sflag:$0x1] =	stream.linear.gather @!p1 [hbm4b:s5+s9], $0x190, $0x38;
	[tilespmem:$0xCC00] =	vst v63  }
0x15: {  	_ =	swait.ge @!p1 [sflag:s10], $0x190  }
0x16: {  	[sflag:s10] =	ssyncset.done @!p1 $0x0  }
0x17: {  	s11 =	simm.s32 @!p1 $0x200;
	[sflag:s10] =	ssyncadd.s32 @!p1 $0xFFFFFE70  }
0x18: {  	[tilespmem:s11], [sflag:$0x1] =	stream.linear.gather @!p1 [hbm4b:s4+s9], $0xC800, $0x38;
	[tilespmem:$0xCC00] =	vst v63  }
0x19: {  	_ =	swait.ge @!p1 [sflag:s10], $0xC800  }
0x1a: {  	[sflag:s10] =	ssyncset.done @!p1 $0x0  }
0x1b: {  	s12 =	simm.s32 @!p1 $0x190;
	[sflag:s10] =	ssyncadd.s32 @!p1 $0xFFFF3800  }
0x1c: {  	[spmem:s1] =	stream.indirect.scatter.add.f32 @!p1 [tilespmem:s11], [sflag:$0x1], $0x80, s9, s12, $0xb8;
	[tilespmem:$0xCC00] =	vst v63  }
0x1d: {  	s13 =	sadd.s32 $0xFFFFFFFF, s13;
	_ =	swait.ge @!p1 [sflag:s10], $0xC800  }
0x1e: {  	p3 =	sne.s32 s13, $0x0;
	[sflag:s10] =	ssyncset.done @!p1 $0x0  }
.Ltmp1:
0x1f: {  	[sflag:s10] =	ssyncadd.s32 @!p1 $0xFFFF3800;
	(pc) =	sbr.rel @!p3 .LBB2_3-.Ltmp1, $4  }
0x20: {  	[bflag:$0x0] =	sbarrier.arrive $0xFFFF  }
0x21: {  	[hbm:s2], [sflag:s8] =	dma.local @!p0 [spmem:s3], $0x400  }
0x22: {  	_ =	swait.ge @!p0 [sflag:s7], $0x400  }
0x23: {  	p2 =	por $0x1, $0x1;
	[sflag:s7] =	ssyncset.done @!p0 $0x0  }
.LBB2_2:
0x24: {  	[sflag:s7] =	ssyncadd.s32 @!p0 $0xFFFFFC00  }
0x25: {  	[spmem:s3], [sflag:s8] =	dma.local @!p0 [hbm:s6], $0x400  }
0x26: {  	s13 =	sadd.s32 $0xFFFFFFFF, s13;
	_ =	swait.ge @!p0 [sflag:s7], $0x400  }
0x27: {  	p3 =	sne.s32 s13, $0x0;
	[sflag:s7] =	ssyncset.done @!p0 $0x0  }
0x28: {  	[sflag:s7] =	ssyncadd.s32 @!p0 $0xFFFFFC00  }
0x29: {  	[bflag:$0x0] =	sbarrier.arrive $0xFFFF  }
0x2a: {  	[tilespmem:s9], [sflag:$0x1] =	stream.linear.gather @!p1 [hbm4b:s5+s9], $0x190, $0x38;
	[tilespmem:$0xCC00] =	vst v63  }
0x2b: {  	_ =	swait.ge @!p1 [sflag:s10], $0x190  }
0x2c: {  	[sflag:s10] =	ssyncset.done @!p1 $0x0  }
0x2d: {  	[sflag:s10] =	ssyncadd.s32 @!p1 $0xFFFFFE70  }
0x2e: {  	[tilespmem:s11], [sflag:$0x1] =	stream.linear.gather @!p1 [hbm4b:s4+s9], $0xC800, $0x38;
	[tilespmem:$0xCC00] =	vst v63  }
0x2f: {  	_ =	swait.ge @!p1 [sflag:s10], $0xC800  }
0x30: {  	[sflag:s10] =	ssyncset.done @!p1 $0x0  }
0x31: {  	[sflag:s10] =	ssyncadd.s32 @!p1 $0xFFFF3800  }
0x32: {  	[spmem:s1] =	stream.indirect.scatter.add.f32 @!p1 [tilespmem:s11], [sflag:$0x1], $0x80, s9, s12, $0xb8;
	[tilespmem:$0xCC00] =	vst v63  }
0x33: {  	_ =	swait.ge @!p1 [sflag:s10], $0xC800  }
0x34: {  	[sflag:s10] =	ssyncset.done @!p1 $0x0  }
.Ltmp2:
0x35: {  	[sflag:s10] =	ssyncadd.s32 @!p1 $0xFFFF3800;
	(pc) =	sbr.rel @p3 .LBB2_2-.Ltmp2, $4  }
0x36: {  	[bflag:$0x0] =	sbarrier.arrive $0xFFFF  }
0x37: {  	[hbm:s2], [sflag:s8] =	dma.local @!p0 [spmem:s3], $0x400  }
0x38: {  	_ =	swait.ge @!p0 [sflag:s7], $0x400  }
0x39: {  	[sflag:s7] =	ssyncset.done @!p0 $0x0  }
.LBB2_3:
0x3a: {  	p2 =	por p0, !p2  }
0x3b: {  	s8 =	simm.s32 @!p0 $0x1C01;
	s9 =	simm.s32 @!p0 $0x1;
	[sflag:s7] =	ssyncadd.s32 @!p2 $0xFFFFFC00  }
0x3c: {  	[spmem:s3], [sflag:s8] =	dma.local @!p0 [hbm:s6], $0x400  }
0x3d: {  	_ =	swait.ge @!p0 [sflag:s9], $0x400  }
0x3e: {  	[sflag:s9] =	ssyncset.done @!p0 $0x0  }
0x3f: {  	[sflag:s9] =	ssyncadd.s32 @!p0 $0xFFFFFC00  }
0x40: {  	s7 =	simm.s32 @!p1 $0x1;
	s6 =	simm.s32 @!p1 $0x0;
	[bflag:$0x0] =	sbarrier.arrive $0xFFFF  }
0x41: {  	[tilespmem:s6], [sflag:$0x1] =	stream.linear.gather @!p1 [hbm4b:s5+s6], $0x190, $0x38;
	[tilespmem:$0xCC00] =	vst v63  }
0x42: {  	_ =	swait.ge @!p1 [sflag:s7], $0x190  }
0x43: {  	[sflag:s7] =	ssyncset.done @!p1 $0x0  }
0x44: {  	s5 =	simm.s32 @!p1 $0x200;
	[sflag:s7] =	ssyncadd.s32 @!p1 $0xFFFFFE70  }
0x45: {  	[tilespmem:s5], [sflag:$0x1] =	stream.linear.gather @!p1 [hbm4b:s4+s6], $0xC800, $0x38;
	[tilespmem:$0xCC00] =	vst v63  }
0x46: {  	_ =	swait.ge @!p1 [sflag:s7], $0xC800  }
0x47: {  	[sflag:s7] =	ssyncset.done @!p1 $0x0  }
0x48: {  	s4 =	simm.s32 @!p1 $0x190;
	[sflag:s7] =	ssyncadd.s32 @!p1 $0xFFFF3800  }
0x49: {  	[spmem:s1] =	stream.indirect.scatter.add.f32 @!p1 [tilespmem:s5], [sflag:$0x1], $0x80, s6, s4, $0xb8;
	[tilespmem:$0xCC00] =	vst v63  }
0x4a: {  	_ =	swait.ge @!p1 [sflag:s7], $0xC800  }
0x4b: {  	[sflag:s7] =	ssyncset.done @!p1 $0x0  }
0x4c: {  	[sflag:s7] =	ssyncadd.s32 @!p1 $0xFFFF3800  }
0x4d: {  	[bflag:$0x0] =	sbarrier.arrive $0xFFFF  }
0x4e: {  	[hbm:s2], [sflag:s8] =	dma.local @!p0 [spmem:s3], $0x400  }
0x4f: {  	_ =	swait.ge @!p0 [sflag:s9], $0x400  }
0x50: {  	[sflag:s9] =	ssyncset.done @!p0 $0x0  }
0x51: {  	[sflag:s9] =	ssyncadd.s32 @!p0 $0xFFFFFC00  }
0x52: {  	_ =	sfence.sel $0x180000  }
0x53: {  	[bflag:$0x0] =	sbarrier.arrive $0xFFFF  }
0x54: {  	_ =	strace $0x90000047  }
0x55: {  	s0 =	sadd.s32 @!p0 $0x100000, s0;
	[bflag:$0x2] =	sbarrier.arrive $0xFFFF  }
0x56: {  	[sflag:s0] =	ssyncadd.tile.s32 @!p0 $0x1;
	_ =	shalt  }
.Lfunc_end2:
_tile_overlayer_lowered:
.L_overlay_start_2:
0x57: {  	(tag) =	ssettag $0x2  }
0x58: {  	s0 =	rddreg [dreg:$0x0];
	s2 =	stileid.u32  }
0x59: {  	s1 =	rddreg [dreg:$0x1];
	p0 =	sne.s32 s2, $0x0  }
0x5a: {  	s3 =	rddreg [dreg:$0x2];
	[bflag:$0x3] =	sbarrier.arrive $0xFFFF;
	s2 =	simm.s32 @!p0 $0x1C01  }
0x5b: {  	[timem:s3], [sflag:s2] =	dma.local @!p0 [hbm:s0], s1  }
0x5c: {  	s0 =	simm.s32 @!p0 $0x1  }
0x5d: {  	_ =	swait.ge @!p0 [sflag:s0], s1  }
0x5e: {  	s1 =	ssub.s32 @!p0 $0x0, s1;
	[sflag:s0] =	ssyncset.done @!p0 $0x0  }
0x5f: {  	[sflag:s0] =	ssyncadd.s32 @!p0 s1  }
0x60: {  	[bflag:$0x3] =	sbarrier.arrive $0xFFFF  }
0x61: {  	_ =	shalt  }

</sc_bundles>
